<compile_context>
chip_gen: v7x
topology: tpu7x:2x2x1
jax: 0.10.2.dev20260603
libtpu: 0.0.44.dev20260713+nightly
codegen_flags: <defaults>
</compile_context>

<pallas_src>
import functools

import jax
import jax.numpy as jnp
from jax import lax
from jax.experimental import pallas as pl
from jax.experimental.pallas import tpu as pltpu
from jax.experimental.pallas import tpu_sc as plsc

_B = 4096
_F = 26
_C = 1000
_NC = 2
_NS = 16
_NW = _NC * _NS
_WIN = 8
_NWIN = _C // _WIN
_NCHUNK = _F * _NWIN
_L = 16
_PER_W = (_NCHUNK + _NW - 1) // _NW


def _sc_onehot(idx_hbm, off_hbm, on_hbm, depth_hbm, out_hbm,
               idx_v, off_v, on_v, depth_v, buf):
    w = lax.axis_index("s") * _NC + lax.axis_index("c")

    pltpu.sync_copy(off_hbm, off_v)
    pltpu.sync_copy(on_hbm, on_v)
    pltpu.sync_copy(depth_hbm, depth_v)
    off = off_v[...]
    on = on_v[...]
    depth = depth_v[...]
    lane = lax.iota(jnp.int32, _L)

    def gen(win):
        c0 = win * _WIN

        def seg(g, _):
            iv = idx_v[pl.ds(g * _L, _L)]
            ivm = jnp.where(iv < depth, iv, -1)
            for r in range(_WIN):
                buf[r, pl.ds(g * _L, _L)] = jnp.where(ivm == c0 + r, on, off)
            return _
        lax.fori_loop(0, _B // _L, seg, None)

    def step(t, _):
        cid = w + _NW * t

        @pl.when(cid < _NCHUNK)
        def _do():
            f = cid // _NWIN
            win = cid % _NWIN
            pltpu.sync_copy(idx_hbm.at[f], idx_v)
            gen(win)
            pltpu.sync_copy(buf, out_hbm.at[f, pl.ds(win * _WIN, _WIN), :])
        return _

    lax.fori_loop(0, _PER_W, step, None)


def kernel(indices, depth, values):
    idx_t = indices.T
    off16 = jnp.full((_L,), values[0], dtype=jnp.float32)
    on16 = jnp.full((_L,), values[1], dtype=jnp.float32)
    depth16 = jnp.full((_L,), depth, dtype=jnp.int32)

    mesh = plsc.VectorSubcoreMesh(core_axis_name="c", subcore_axis_name="s")
    k = functools.partial(
        pl.kernel,
        mesh=mesh,
        out_type=jax.ShapeDtypeStruct((_F, _C, _B), jnp.float32),
        scratch_types=[
            pltpu.VMEM((_B,), jnp.int32),
            pltpu.VMEM((_L,), jnp.float32),
            pltpu.VMEM((_L,), jnp.float32),
            pltpu.VMEM((_L,), jnp.int32),
            pltpu.VMEM((_WIN, _B), jnp.float32),
        ],
    )(_sc_onehot)
    out_t = k(idx_t, off16, on16, depth16)
    return out_t.transpose(2, 0, 1)

# --- scband reference (transcript-rebuilt; emitter-appended) ---
"""Pipeline reference for scband-one-hot-model-56075093017043 (READ-ONLY COPY).

The authoritative reference and input builder live on the scoring server;
editing this copy changes nothing except your own understanding.
"""

import jax, jax.numpy as jnp
import numpy as np


def setup_inputs(seed: int = 0) -> dict:
    key = jax.random.key(seed)
    k1, k2 = jax.random.split(key)
    indices = jax.random.randint(k1, (4096, 26), 0, 1000, dtype=jnp.int64 if jax.config.jax_enable_x64 else jnp.int32).astype(jnp.int32)
    values = jax.random.normal(k2, (2,), dtype=jnp.float32)
    depth = 1000
    return {"indices": indices, "depth": depth, "values": values}


def reference(indices, depth, values):
    off_value = values[0]
    on_value = values[1]
    # F.one_hot(indices, num_classes=depth) -> one-hot along last axis
    num_classes = 1000
    classes = jnp.arange(num_classes, dtype=indices.dtype)
    one_hot = (indices[..., None] == classes).astype(jnp.float32)
    one_hot = jnp.where(classes < depth, one_hot, jnp.float32(0))
    one_hot = one_hot * (on_value - off_value) + off_value
    # axis == -1, so no permute needed
    return one_hot

if __name__ == "__main__":
    import jax
    _d = setup_inputs()
    print(jax.jit(kernel)(*tuple(_d.values())))

</pallas_src>

<mosaic_0001>
#map = affine_map<(d0, d1) -> (0, 0)>
#map1 = affine_map<(d0, d1) -> (0)>
#map2 = affine_map<(d0, d1) -> (0, 0, 0)>
module attributes {stable_mosaic.version = 14 : i64} {
  func.func @_sc_onehot(%arg0: i32, %arg1: i32, %arg2: memref<26x4096xi32, #tpu.memory_space<hbm>>, %arg3: memref<16xf32, #tpu.memory_space<hbm>>, %arg4: memref<16xf32, #tpu.memory_space<hbm>>, %arg5: memref<16xi32, #tpu.memory_space<hbm>>, %arg6: memref<26x1000x4096xf32, #tpu.memory_space<hbm>>, %arg7: memref<4096xi32, #tpu.memory_space<vmem>>, %arg8: memref<16xf32, #tpu.memory_space<vmem>>, %arg9: memref<16xf32, #tpu.memory_space<vmem>>, %arg10: memref<16xi32, #tpu.memory_space<vmem>>, %arg11: memref<8x4096xf32, #tpu.memory_space<vmem>>) attributes {dimension_semantics = [#tpu.dimension_semantics<core_parallel>, #tpu.dimension_semantics<subcore_parallel>], iteration_bounds = array<i64: 2, 16>, scalar_prefetch = 0 : i64, scratch_operands = 5 : i64, tpu.core_type = #tpu.core_type<sc_vector_subcore>, window_params = [{transform_indices = #map}, {transform_indices = #map1}, {transform_indices = #map1}, {transform_indices = #map1}, {transform_indices = #map2}]} {
    %mul3A = arith.constant 2 : i32
    %mul3A_0 = arith.muli %arg1, %mul3A : i32
    %add3A = arith.addi %mul3A_0, %arg0 : i32
    "tpu.region"() ({
      %run_scoped3A = tpu.sem_alloc : memref<!tpu.dma_semaphore, #tpu.memory_space<semaphore_mem>>
      tpu.enqueue_dma source(%arg3 : memref<16xf32, #tpu.memory_space<hbm>>) target(%arg8 : memref<16xf32, #tpu.memory_space<vmem>>) target_semaphore(%run_scoped3A : memref<!tpu.dma_semaphore, #tpu.memory_space<semaphore_mem>>)
      tpu.wait_dma2 semaphore(%run_scoped3A : memref<!tpu.dma_semaphore, #tpu.memory_space<semaphore_mem>>) src(%arg3 : memref<16xf32, #tpu.memory_space<hbm>>) dst(%arg8 : memref<16xf32, #tpu.memory_space<vmem>>)
      tpu.yield
    }) : () -> ()
    "tpu.region"() ({
      %run_scoped3A = tpu.sem_alloc : memref<!tpu.dma_semaphore, #tpu.memory_space<semaphore_mem>>
      tpu.enqueue_dma source(%arg4 : memref<16xf32, #tpu.memory_space<hbm>>) target(%arg9 : memref<16xf32, #tpu.memory_space<vmem>>) target_semaphore(%run_scoped3A : memref<!tpu.dma_semaphore, #tpu.memory_space<semaphore_mem>>)
      tpu.wait_dma2 semaphore(%run_scoped3A : memref<!tpu.dma_semaphore, #tpu.memory_space<semaphore_mem>>) src(%arg4 : memref<16xf32, #tpu.memory_space<hbm>>) dst(%arg9 : memref<16xf32, #tpu.memory_space<vmem>>)
      tpu.yield
    }) : () -> ()
    "tpu.region"() ({
      %run_scoped3A = tpu.sem_alloc : memref<!tpu.dma_semaphore, #tpu.memory_space<semaphore_mem>>
      tpu.enqueue_dma source(%arg5 : memref<16xi32, #tpu.memory_space<hbm>>) target(%arg10 : memref<16xi32, #tpu.memory_space<vmem>>) target_semaphore(%run_scoped3A : memref<!tpu.dma_semaphore, #tpu.memory_space<semaphore_mem>>)
      tpu.wait_dma2 semaphore(%run_scoped3A : memref<!tpu.dma_semaphore, #tpu.memory_space<semaphore_mem>>) src(%arg5 : memref<16xi32, #tpu.memory_space<hbm>>) dst(%arg10 : memref<16xi32, #tpu.memory_space<vmem>>)
      tpu.yield
    }) : () -> ()
    %get3A = arith.constant 0 : index
    %get3A_1 = tpu.vector_load %arg8[%get3A] {strides = array<i32>} : memref<16xf32, #tpu.memory_space<vmem>>, vector<16xf32>,
    %get3A_2 = vector.shape_cast %get3A_1 : vector<16xf32> to vector<16xf32>
    %get3A_3 = arith.constant 0 : index
    %get3A_4 = tpu.vector_load %arg9[%get3A_3] {strides = array<i32>} : memref<16xf32, #tpu.memory_space<vmem>>, vector<16xf32>,
    %get3A_5 = vector.shape_cast %get3A_4 : vector<16xf32> to vector<16xf32>
    %get3A_6 = arith.constant 0 : index
    %get3A_7 = tpu.vector_load %arg10[%get3A_6] {strides = array<i32>} : memref<16xi32, #tpu.memory_space<vmem>>, vector<16xi32>,
    %get3A_8 = vector.shape_cast %get3A_7 : vector<16xi32> to vector<16xi32>
    %iota3A = tpu.iota {dimensions = array<i32: 0>} : vector<16xi32>
    %scan3A = arith.constant 0 : i32
    %scan3A_9 = arith.constant 102 : i32
    %scan3A_10 = arith.addi %scan3A, %scan3A_9 : i32
    %scan3A_11 = arith.constant 1 : i32
    scf.for %scan3A_13 = %scan3A to %scan3A_10 step %scan3A_11  : i32 {
      %mul3A_14 = arith.constant 32 : i32
      %mul3A_15 = arith.muli %mul3A_14, %scan3A_13 : i32
      %add3A_16 = arith.addi %add3A, %mul3A_15 : i32
      %lt3A = arith.constant 3250 : i32
      %lt3A_17 = arith.cmpi slt, %add3A_16, %lt3A : i32
      %convert_element_type3A = arith.extui %lt3A_17 : i1 to i32
      %cond3A = arith.constant 0 : i32
      %cond3A_18 = arith.cmpi ne, %convert_element_type3A, %cond3A : i32
      scf.if %cond3A_18 {
        %jit3A = arith.constant 125 : i32
        %div3A = arith.divsi %add3A_16, %jit3A : i32
        %sign3A = arith.constant 0 : i32
        %sign3A_19 = arith.cmpi sgt, %add3A_16, %sign3A : i32
        %sign3A_20 = arith.extui %sign3A_19 : i1 to i32
        %sign3A_21 = arith.constant 0 : i32
        %sign3A_22 = arith.cmpi slt, %add3A_16, %sign3A_21 : i32
        %sign3A_23 = arith.extui %sign3A_22 : i1 to i32
        %sign3A_24 = arith.subi %sign3A_20, %sign3A_23 : i32
        %sign3A_25 = arith.constant 0 : i32
        %sign3A_26 = arith.cmpi sgt, %jit3A, %sign3A_25 : i32
        %sign3A_27 = arith.extui %sign3A_26 : i1 to i32
        %sign3A_28 = arith.constant 0 : i32
        %sign3A_29 = arith.cmpi slt, %jit3A, %sign3A_28 : i32
        %sign3A_30 = arith.extui %sign3A_29 : i1 to i32
        %sign3A_31 = arith.subi %sign3A_27, %sign3A_30 : i32
        %ne3A = arith.cmpi ne, %sign3A_24, %sign3A_31 : i32
        %rem3A = arith.remsi %add3A_16, %jit3A : i32
        %ne3A_32 = arith.constant 0 : i32
        %ne3A_33 = arith.cmpi ne, %rem3A, %ne3A_32 : i32
        %and3A = arith.andi %ne3A, %ne3A_33 : i1
        %sub3A = arith.constant 1 : i32
        %sub3A_34 = arith.subi %div3A, %sub3A : i32
        %select_n3A = arith.select %and3A, %sub3A_34, %div3A : i32
        %jit3A_35 = arith.constant 125 : i32
        %eq3A = arith.constant 0 : i32
        %eq3A_36 = arith.cmpi eq, %jit3A_35, %eq3A : i32
        %jit3A_37 = arith.constant 1 : i32
        %select_n3A_38 = arith.select %eq3A_36, %jit3A_37, %jit3A_35 : i32
        %rem3A_39 = arith.remsi %add3A_16, %select_n3A_38 : i32
        %ne3A_40 = arith.constant 0 : i32
        %ne3A_41 = arith.cmpi ne, %rem3A_39, %ne3A_40 : i32
        %lt3A_42 = arith.constant 0 : i32
        %lt3A_43 = arith.cmpi slt, %rem3A_39, %lt3A_42 : i32
        %lt3A_44 = arith.constant 0 : i32
        %lt3A_45 = arith.cmpi slt, %select_n3A_38, %lt3A_44 : i32
        %ne3A_46 = arith.xori %lt3A_43, %lt3A_45 : i1
        %and3A_47 = arith.andi %ne3A_46, %ne3A_41 : i1
        %add3A_48 = arith.addi %rem3A_39, %select_n3A_38 : i32
        %select_n3A_49 = arith.select %and3A_47, %add3A_48, %rem3A_39 : i32
        "tpu.region"() ({
          %run_scoped3A = tpu.sem_alloc : memref<!tpu.dma_semaphore, #tpu.memory_space<semaphore_mem>>
          %dma_start3A = arith.constant 0 : i32
          %dma_start3A_59 = tpu.memref_slice %arg2[%select_n3A, %dma_start3A] : memref<26x4096xi32, #tpu.memory_space<hbm>> -> memref<1x4096xi32, #tpu.memory_space<hbm>>
          %dma_start3A_60 = tpu.memref_squeeze %dma_start3A_59 : memref<1x4096xi32, #tpu.memory_space<hbm>> -> memref<4096xi32, #tpu.memory_space<hbm>>
          %dma_start3A_61 = arith.constant 0 : i32
          %dma_start3A_62 = tpu.memref_slice %arg2[%select_n3A, %dma_start3A_61] : memref<26x4096xi32, #tpu.memory_space<hbm>> -> memref<1x4096xi32, #tpu.memory_space<hbm>>
          %dma_start3A_63 = tpu.memref_squeeze %dma_start3A_62 : memref<1x4096xi32, #tpu.memory_space<hbm>> -> memref<4096xi32, #tpu.memory_space<hbm>>
          tpu.enqueue_dma source(%dma_start3A_63 : memref<4096xi32, #tpu.memory_space<hbm>>) target(%arg7 : memref<4096xi32, #tpu.memory_space<vmem>>) target_semaphore(%run_scoped3A : memref<!tpu.dma_semaphore, #tpu.memory_space<semaphore_mem>>)
          %dma_wait3A = arith.constant 0 : i32
          %dma_wait3A_64 = tpu.memref_slice %arg2[%select_n3A, %dma_wait3A] : memref<26x4096xi32, #tpu.memory_space<hbm>> -> memref<1x4096xi32, #tpu.memory_space<hbm>>
          %dma_wait3A_65 = tpu.memref_squeeze %dma_wait3A_64 : memref<1x4096xi32, #tpu.memory_space<hbm>> -> memref<4096xi32, #tpu.memory_space<hbm>>
          %dma_wait3A_66 = arith.constant 0 : i32
          %dma_wait3A_67 = tpu.memref_slice %arg2[%select_n3A, %dma_wait3A_66] : memref<26x4096xi32, #tpu.memory_space<hbm>> -> memref<1x4096xi32, #tpu.memory_space<hbm>>
          %dma_wait3A_68 = tpu.memref_squeeze %dma_wait3A_67 : memref<1x4096xi32, #tpu.memory_space<hbm>> -> memref<4096xi32, #tpu.memory_space<hbm>>
          tpu.wait_dma2 semaphore(%run_scoped3A : memref<!tpu.dma_semaphore, #tpu.memory_space<semaphore_mem>>) src(%dma_wait3A_68 : memref<4096xi32, #tpu.memory_space<hbm>>) dst(%arg7 : memref<4096xi32, #tpu.memory_space<vmem>>)
          tpu.yield
        }) : () -> ()
        %mul3A_50 = arith.constant 8 : i32
        %mul3A_51 = arith.muli %select_n3A_49, %mul3A_50 : i32
        %scan3A_52 = arith.constant 0 : i32
        %scan3A_53 = arith.constant 256 : i32
        %scan3A_54 = arith.addi %scan3A_52, %scan3A_53 : i32
        %scan3A_55 = arith.constant 1 : i32
        scf.for %scan3A_59 = %scan3A_52 to %scan3A_54 step %scan3A_55  : i32 {
          %mul3A_60 = arith.constant 16 : i32
          %mul3A_61 = arith.muli %scan3A_59, %mul3A_60 : i32
          %get3A_62 = arith.index_cast %mul3A_61 : i32 to index
          %get3A_63 = tpu.vector_load %arg7[%get3A_62] {strides = array<i32>} : memref<4096xi32, #tpu.memory_space<vmem>>, vector<16xi32>,
          %get3A_64 = vector.shape_cast %get3A_63 : vector<16xi32> to vector<16xi32>
          %lt3A_65 = arith.cmpi slt, %get3A_64, %get3A_8 : vector<16xi32>
          %jit3A_66 = arith.constant -1 : i32
          %broadcast_in_dim3A = vector.broadcast %jit3A_66 : i32 to vector<16xi32>
          %select_n3A_67 = arith.select %lt3A_65, %get3A_64, %broadcast_in_dim3A : vector<16xi1>, vector<16xi32>
          %add3A_68 = arith.constant 0 : i32
          %add3A_69 = arith.addi %mul3A_51, %add3A_68 : i32
          %eq3A_70 = vector.broadcast %add3A_69 : i32 to vector<16xi32>
          %eq3A_71 = arith.cmpi eq, %select_n3A_67, %eq3A_70 : vector<16xi32>
          %select_n3A_72 = arith.select %eq3A_71, %get3A_5, %get3A_2 : vector<16xi1>, vector<16xf32>
          %mul3A_73 = arith.constant 16 : i32
          %mul3A_74 = arith.muli %scan3A_59, %mul3A_73 : i32
          %swap3A = arith.constant 0 : i32
          %swap3A_75 = arith.index_cast %swap3A : i32 to index
          %swap3A_76 = arith.index_cast %mul3A_74 : i32 to index
          %swap3A_77 = tpu.vector_load %arg11[%swap3A_75, %swap3A_76] {strides = array<i32>} : memref<8x4096xf32, #tpu.memory_space<vmem>>, vector<1x16xf32>,
          %swap3A_78 = vector.shape_cast %swap3A_77 : vector<1x16xf32> to vector<16xf32>
          %swap3A_79 = vector.shape_cast %select_n3A_72 : vector<16xf32> to vector<1x16xf32>
          tpu.vector_store %arg11[%swap3A_75, %swap3A_76], %swap3A_79 {strides = array<i32>} : memref<8x4096xf32, #tpu.memory_space<vmem>>, vector<1x16xf32>,
          %add3A_80 = arith.constant 1 : i32
          %add3A_81 = arith.addi %mul3A_51, %add3A_80 : i32
          %eq3A_82 = vector.broadcast %add3A_81 : i32 to vector<16xi32>
          %eq3A_83 = arith.cmpi eq, %select_n3A_67, %eq3A_82 : vector<16xi32>
          %select_n3A_84 = arith.select %eq3A_83, %get3A_5, %get3A_2 : vector<16xi1>, vector<16xf32>
          %mul3A_85 = arith.constant 16 : i32
          %mul3A_86 = arith.muli %scan3A_59, %mul3A_85 : i32
          %swap3A_87 = arith.constant 1 : i32
          %swap3A_88 = arith.index_cast %swap3A_87 : i32 to index
          %swap3A_89 = arith.index_cast %mul3A_86 : i32 to index
          %swap3A_90 = tpu.vector_load %arg11[%swap3A_88, %swap3A_89] {strides = array<i32>} : memref<8x4096xf32, #tpu.memory_space<vmem>>, vector<1x16xf32>,
          %swap3A_91 = vector.shape_cast %swap3A_90 : vector<1x16xf32> to vector<16xf32>
          %swap3A_92 = vector.shape_cast %select_n3A_84 : vector<16xf32> to vector<1x16xf32>
          tpu.vector_store %arg11[%swap3A_88, %swap3A_89], %swap3A_92 {strides = array<i32>} : memref<8x4096xf32, #tpu.memory_space<vmem>>, vector<1x16xf32>,
          %add3A_93 = arith.constant 2 : i32
          %add3A_94 = arith.addi %mul3A_51, %add3A_93 : i32
          %eq3A_95 = vector.broadcast %add3A_94 : i32 to vector<16xi32>
          %eq3A_96 = arith.cmpi eq, %select_n3A_67, %eq3A_95 : vector<16xi32>
          %select_n3A_97 = arith.select %eq3A_96, %get3A_5, %get3A_2 : vector<16xi1>, vector<16xf32>
          %mul3A_98 = arith.constant 16 : i32
          %mul3A_99 = arith.muli %scan3A_59, %mul3A_98 : i32
          %swap3A_100 = arith.constant 2 : i32
          %swap3A_101 = arith.index_cast %swap3A_100 : i32 to index
          %swap3A_102 = arith.index_cast %mul3A_99 : i32 to index
          %swap3A_103 = tpu.vector_load %arg11[%swap3A_101, %swap3A_102] {strides = array<i32>} : memref<8x4096xf32, #tpu.memory_space<vmem>>, vector<1x16xf32>,
          %swap3A_104 = vector.shape_cast %swap3A_103 : vector<1x16xf32> to vector<16xf32>
          %swap3A_105 = vector.shape_cast %select_n3A_97 : vector<16xf32> to vector<1x16xf32>
          tpu.vector_store %arg11[%swap3A_101, %swap3A_102], %swap3A_105 {strides = array<i32>} : memref<8x4096xf32, #tpu.memory_space<vmem>>, vector<1x16xf32>,
          %add3A_106 = arith.constant 3 : i32
          %add3A_107 = arith.addi %mul3A_51, %add3A_106 : i32
          %eq3A_108 = vector.broadcast %add3A_107 : i32 to vector<16xi32>
          %eq3A_109 = arith.cmpi eq, %select_n3A_67, %eq3A_108 : vector<16xi32>
          %select_n3A_110 = arith.select %eq3A_109, %get3A_5, %get3A_2 : vector<16xi1>, vector<16xf32>
          %mul3A_111 = arith.constant 16 : i32
          %mul3A_112 = arith.muli %scan3A_59, %mul3A_111 : i32
          %swap3A_113 = arith.constant 3 : i32
          %swap3A_114 = arith.index_cast %swap3A_113 : i32 to index
          %swap3A_115 = arith.index_cast %mul3A_112 : i32 to index
          %swap3A_116 = tpu.vector_load %arg11[%swap3A_114, %swap3A_115] {strides = array<i32>} : memref<8x4096xf32, #tpu.memory_space<vmem>>, vector<1x16xf32>,
          %swap3A_117 = vector.shape_cast %swap3A_116 : vector<1x16xf32> to vector<16xf32>
          %swap3A_118 = vector.shape_cast %select_n3A_110 : vector<16xf32> to vector<1x16xf32>
          tpu.vector_store %arg11[%swap3A_114, %swap3A_115], %swap3A_118 {strides = array<i32>} : memref<8x4096xf32, #tpu.memory_space<vmem>>, vector<1x16xf32>,
          %add3A_119 = arith.constant 4 : i32
          %add3A_120 = arith.addi %mul3A_51, %add3A_119 : i32
          %eq3A_121 = vector.broadcast %add3A_120 : i32 to vector<16xi32>
          %eq3A_122 = arith.cmpi eq, %select_n3A_67, %eq3A_121 : vector<16xi32>
          %select_n3A_123 = arith.select %eq3A_122, %get3A_5, %get3A_2 : vector<16xi1>, vector<16xf32>
          %mul3A_124 = arith.constant 16 : i32
          %mul3A_125 = arith.muli %scan3A_59, %mul3A_124 : i32
          %swap3A_126 = arith.constant 4 : i32
          %swap3A_127 = arith.index_cast %swap3A_126 : i32 to index
          %swap3A_128 = arith.index_cast %mul3A_125 : i32 to index
          %swap3A_129 = tpu.vector_load %arg11[%swap3A_127, %swap3A_128] {strides = array<i32>} : memref<8x4096xf32, #tpu.memory_space<vmem>>, vector<1x16xf32>,
          %swap3A_130 = vector.shape_cast %swap3A_129 : vector<1x16xf32> to vector<16xf32>
          %swap3A_131 = vector.shape_cast %select_n3A_123 : vector<16xf32> to vector<1x16xf32>
          tpu.vector_store %arg11[%swap3A_127, %swap3A_128], %swap3A_131 {strides = array<i32>} : memref<8x4096xf32, #tpu.memory_space<vmem>>, vector<1x16xf32>,
          %add3A_132 = arith.constant 5 : i32
          %add3A_133 = arith.addi %mul3A_51, %add3A_132 : i32
          %eq3A_134 = vector.broadcast %add3A_133 : i32 to vector<16xi32>
          %eq3A_135 = arith.cmpi eq, %select_n3A_67, %eq3A_134 : vector<16xi32>
          %select_n3A_136 = arith.select %eq3A_135, %get3A_5, %get3A_2 : vector<16xi1>, vector<16xf32>
          %mul3A_137 = arith.constant 16 : i32
          %mul3A_138 = arith.muli %scan3A_59, %mul3A_137 : i32
          %swap3A_139 = arith.constant 5 : i32
          %swap3A_140 = arith.index_cast %swap3A_139 : i32 to index
          %swap3A_141 = arith.index_cast %mul3A_138 : i32 to index
          %swap3A_142 = tpu.vector_load %arg11[%swap3A_140, %swap3A_141] {strides = array<i32>} : memref<8x4096xf32, #tpu.memory_space<vmem>>, vector<1x16xf32>,
          %swap3A_143 = vector.shape_cast %swap3A_142 : vector<1x16xf32> to vector<16xf32>
          %swap3A_144 = vector.shape_cast %select_n3A_136 : vector<16xf32> to vector<1x16xf32>
          tpu.vector_store %arg11[%swap3A_140, %swap3A_141], %swap3A_144 {strides = array<i32>} : memref<8x4096xf32, #tpu.memory_space<vmem>>, vector<1x16xf32>,
          %add3A_145 = arith.constant 6 : i32
          %add3A_146 = arith.addi %mul3A_51, %add3A_145 : i32
          %eq3A_147 = vector.broadcast %add3A_146 : i32 to vector<16xi32>
          %eq3A_148 = arith.cmpi eq, %select_n3A_67, %eq3A_147 : vector<16xi32>
          %select_n3A_149 = arith.select %eq3A_148, %get3A_5, %get3A_2 : vector<16xi1>, vector<16xf32>
          %mul3A_150 = arith.constant 16 : i32
          %mul3A_151 = arith.muli %scan3A_59, %mul3A_150 : i32
          %swap3A_152 = arith.constant 6 : i32
          %swap3A_153 = arith.index_cast %swap3A_152 : i32 to index
          %swap3A_154 = arith.index_cast %mul3A_151 : i32 to index
          %swap3A_155 = tpu.vector_load %arg11[%swap3A_153, %swap3A_154] {strides = array<i32>} : memref<8x4096xf32, #tpu.memory_space<vmem>>, vector<1x16xf32>,
          %swap3A_156 = vector.shape_cast %swap3A_155 : vector<1x16xf32> to vector<16xf32>
          %swap3A_157 = vector.shape_cast %select_n3A_149 : vector<16xf32> to vector<1x16xf32>
          tpu.vector_store %arg11[%swap3A_153, %swap3A_154], %swap3A_157 {strides = array<i32>} : memref<8x4096xf32, #tpu.memory_space<vmem>>, vector<1x16xf32>,
          %add3A_158 = arith.constant 7 : i32
          %add3A_159 = arith.addi %mul3A_51, %add3A_158 : i32
          %eq3A_160 = vector.broadcast %add3A_159 : i32 to vector<16xi32>
          %eq3A_161 = arith.cmpi eq, %select_n3A_67, %eq3A_160 : vector<16xi32>
          %select_n3A_162 = arith.select %eq3A_161, %get3A_5, %get3A_2 : vector<16xi1>, vector<16xf32>
          %mul3A_163 = arith.constant 16 : i32
          %mul3A_164 = arith.muli %scan3A_59, %mul3A_163 : i32
          %swap3A_165 = arith.constant 7 : i32
          %swap3A_166 = arith.index_cast %swap3A_165 : i32 to index
          %swap3A_167 = arith.index_cast %mul3A_164 : i32 to index
          %swap3A_168 = tpu.vector_load %arg11[%swap3A_166, %swap3A_167] {strides = array<i32>} : memref<8x4096xf32, #tpu.memory_space<vmem>>, vector<1x16xf32>,
          %swap3A_169 = vector.shape_cast %swap3A_168 : vector<1x16xf32> to vector<16xf32>
          %swap3A_170 = vector.shape_cast %select_n3A_162 : vector<16xf32> to vector<1x16xf32>
          tpu.vector_store %arg11[%swap3A_166, %swap3A_167], %swap3A_170 {strides = array<i32>} : memref<8x4096xf32, #tpu.memory_space<vmem>>, vector<1x16xf32>,
        }
        %scan3A_56 = arith.constant 256 : i32
        %mul3A_57 = arith.constant 8 : i32
        %mul3A_58 = arith.muli %select_n3A_49, %mul3A_57 : i32
        "tpu.region"() ({
          %run_scoped3A = tpu.sem_alloc : memref<!tpu.dma_semaphore, #tpu.memory_space<semaphore_mem>>
          %dma_start3A = arith.constant 0 : i32
          %dma_start3A_59 = tpu.memref_slice %arg6[%select_n3A, %mul3A_58, %dma_start3A] : memref<26x1000x4096xf32, #tpu.memory_space<hbm>> -> memref<1x8x4096xf32, #tpu.memory_space<hbm>>
          %dma_start3A_60 = tpu.memref_squeeze %dma_start3A_59 : memref<1x8x4096xf32, #tpu.memory_space<hbm>> -> memref<8x4096xf32, #tpu.memory_space<hbm>>
          %dma_start3A_61 = arith.constant 0 : i32
          %dma_start3A_62 = tpu.memref_slice %arg6[%select_n3A, %mul3A_58, %dma_start3A_61] : memref<26x1000x4096xf32, #tpu.memory_space<hbm>> -> memref<1x8x4096xf32, #tpu.memory_space<hbm>>
          %dma_start3A_63 = tpu.memref_squeeze %dma_start3A_62 : memref<1x8x4096xf32, #tpu.memory_space<hbm>> -> memref<8x4096xf32, #tpu.memory_space<hbm>>
          tpu.enqueue_dma source(%arg11 : memref<8x4096xf32, #tpu.memory_space<vmem>>) target(%dma_start3A_63 : memref<8x4096xf32, #tpu.memory_space<hbm>>) target_semaphore(%run_scoped3A : memref<!tpu.dma_semaphore, #tpu.memory_space<semaphore_mem>>)
          %dma_wait3A = arith.constant 0 : i32
          %dma_wait3A_64 = tpu.memref_slice %arg6[%select_n3A, %mul3A_58, %dma_wait3A] : memref<26x1000x4096xf32, #tpu.memory_space<hbm>> -> memref<1x8x4096xf32, #tpu.memory_space<hbm>>
          %dma_wait3A_65 = tpu.memref_squeeze %dma_wait3A_64 : memref<1x8x4096xf32, #tpu.memory_space<hbm>> -> memref<8x4096xf32, #tpu.memory_space<hbm>>
          %dma_wait3A_66 = arith.constant 0 : i32
          %dma_wait3A_67 = tpu.memref_slice %arg6[%select_n3A, %mul3A_58, %dma_wait3A_66] : memref<26x1000x4096xf32, #tpu.memory_space<hbm>> -> memref<1x8x4096xf32, #tpu.memory_space<hbm>>
          %dma_wait3A_68 = tpu.memref_squeeze %dma_wait3A_67 : memref<1x8x4096xf32, #tpu.memory_space<hbm>> -> memref<8x4096xf32, #tpu.memory_space<hbm>>
          tpu.wait_dma2 semaphore(%run_scoped3A : memref<!tpu.dma_semaphore, #tpu.memory_space<semaphore_mem>>) src(%arg11 : memref<8x4096xf32, #tpu.memory_space<vmem>>) dst(%dma_wait3A_68 : memref<8x4096xf32, #tpu.memory_space<hbm>>)
          tpu.yield
        }) : () -> ()
      } else {
      }
    }
    %scan3A_12 = arith.constant 102 : i32
    return
  }
}

</mosaic_0001>

<sc_bundles>
// kernel: kernel.3.cloned.1.call-start
scs
__scs_entry_jumppad:
0x0: {  	(pc) =	sbr.rel $0x88, $3  }
0x1: {  	(tag) =	ssettag $0x0;
	lr =	simm.s32 $0x1  }
0x2: {  	[smem:$0x3F9E] =	sst lr;
	_ =	strace $0xD0000000  }
0x3: {  	_ = 	snop  }
0x4: {  	_ = 	snop  }
0x5: {  	_ = 	snop  }
0x6: {  	_ = 	snop  }
0x7: {  	_ = 	snop  }
__scs_overlays_trampoline_lowered:
0x8: {  	[smem:$0x3FAD] =	sst s0  }
0x9: {  	[smem:$0x3FAE] =	sst s1  }
0xa: {  	[smem:$0x3FAF] =	sst s2  }
0xb: {  	[smem:$0x3FB0] =	sst s3  }
0xc: {  	[smem:$0x3FB1] =	sst s4  }
0xd: {  	[smem:$0x3FB2] =	sst s5  }
0xe: {  	[smem:$0x3FB3] =	sst s6  }
0xf: {  	[smem:$0x3FB4] =	sst s7  }
0x10: {  	[smem:$0x3FB5] =	sst s8  }
0x11: {  	[smem:$0x3FB6] =	sst s9;
	s0 =	simm.s32 @!p0 $0x0  }
0x12: {  	s1 =	sld [smem:$0x3F9C];
	s0 =	simm.s32 @p0 $0x1  }
0x13: {  	[smem:$0x3FB7] =	sst s0;
	s0 =	simm.s32 @!p1 $0x0  }
0x14: {  	s2 =	sld [smem:$0x3F9B];
	s0 =	simm.s32 @p1 $0x1  }
0x15: {  	[smem:$0x3FB8] =	sst s0;
	s0 =	simm.s32 @!p2 $0x0  }
0x16: {  	s3 =	sld [smem:$0x3FDB];
	s0 =	simm.s32 @p2 $0x1  }
0x17: {  	s4 =	simm.s32 $0x1BF5;
	[smem:$0x3FBA] =	sst s0  }
0x18: {  	s0 =	sld [smem:$0x3F9D];
	_ =	swait.ge [sflag:s4], $0x0  }
0x19: {  	s7 =	sld [smem:$0x3F9E]  }
0x1a: {  	s8 =	sadd.s32 $0xFFFFE003, lr  }
0x1b: {  	s9 =	sadd.s32 $0xFFFFFEF7, lr;
	s5 =	simm.s32 $0xFFFFFFFF;
	p2 =	slt.u32 s8, $0xFFFFF086  }
0x1c: {  	p1 =	slt.u32 s9, $0xF7A;
	s5 =	simm.s32 @!p2 $0x0  }
0x1d: {  	s5 =	simm.s32 @p1 $0x1;
	p0 =	seq.s32 s7, s2  }
0x1e: {  	s7 =	smul.u32 @!p0 $0xF7A, s2;
	p2 =	seq.s32 @!p0 s5, $0x0  }
0x1f: {  	s9 =	smul.u32 $0xF7A, s1;
	s8 =	simm.s32 @!p0 $0x1BF5;
	p2 =	por !p2, p0  }
0x20: {  	[sflag:s8] =	ssyncset.s32 @!p0 $0xFFFFF086;
	s6 =	sadd.s32 @!p0 s3, s7;
	s7 =	simm.s32 @!p0 $0x108  }
0x21: {  	s3 =	sadd.s32 s3, s9;
	s6 =	sadd.s32 @!p0 $0x88, s6;
	s7 =	simm.s32 @p2 $0x1082  }
0x22: {  	[simem:s7], [sflag:s8] =	dma.local @!p0 [hbm:s6], $0xF7A  }
0x23: {  	s9 =	sor.u32 $0xD0000000, s2;
	s6 =	simm.s32 $0x108;
	_ =	swait.ge @!p0 [sflag:s8], $0x0  }
0x24: {  	s3 =	sadd.s32 $0x88, s3;
	s6 =	simm.s32 @!p1 $0x1082;
	[sflag:s4] =	ssyncset.s32 $0xFFFFF086  }
0x25: {  	[simem:s6], [sflag:s4] =	dma.local [hbm:s3], $0xF7A  }
0x26: {  	[smem:$0x3F9E] =	sst s1;
	(tag) =	ssettag s2;
	_ =	strace s9  }
0x27: {  	s1 =	sld [smem:$0x3FAE]  }
0x28: {  	s2 =	sld [smem:$0x3FAF]  }
0x29: {  	s4 =	sld [smem:$0x3FB1]  }
0x2a: {  	p0 =	seq.s32 s5, $0x0;
	s5 =	sld [smem:$0x3FB2]  }
0x2b: {  	s6 =	sld [smem:$0x3FB3]  }
0x2c: {  	s7 =	sld [smem:$0x3FB4]  }
0x2d: {  	s3 =	simm.s32 $0x108;
	s8 =	sld [smem:$0x3FB5]  }
0x2e: {  	s3 =	simm.s32 @!p0 $0x1082;
	s9 =	sld [smem:$0x3FB6]  }
0x2f: {  	lr =	sadd.s32 s0, s3;
	s0 =	sld [smem:$0x3FAD]  }
0x30: {  	s3 =	sld [smem:$0x3FB0]  }
0x31: {  	[smem:$0x3FB9] =	sst s10  }
0x32: {  	s10 =	sld [smem:$0x3FB7];
	_ =	sdelay $0x3  }
0x33: {  	p0 =	seq.s32 s10, $0x1;
	s10 =	sld [smem:$0x3FB9];
	_ =	sdelay $0x3  }
0x34: {  	[smem:$0x3FB9] =	sst s10  }
0x35: {  	s10 =	sld [smem:$0x3FB8];
	_ =	sdelay $0x3  }
0x36: {  	p1 =	seq.s32 s10, $0x1;
	s10 =	sld [smem:$0x3FB9];
	_ =	sdelay $0x3  }
0x37: {  	[smem:$0x3FB9] =	sst s10  }
0x38: {  	s10 =	sld [smem:$0x3FBA]  }
0x39: {  	_ = 	snop;
	(pc) =	sbr.ind lr, $3  }
0x3a: {  	_ = 	snop  }
0x3b: {  	_ = 	snop  }
0x3c: {  	p2 =	seq.s32 s10, $0x1;
	s10 =	sld [smem:$0x3FB9]  }
0x3d: {  	_ =	shalt  }
0x3e: {  	_ =	shalt  }
0x3f: {  	_ =	shalt  }
0x40: {  	_ =	shalt  }
0x41: {  	_ =	shalt  }
0x42: {  	_ =	shalt  }
0x43: {  	_ =	shalt  }
0x44: {  	_ =	shalt  }
0x45: {  	_ =	shalt  }
0x46: {  	_ =	shalt  }
0x47: {  	_ =	shalt  }
0x48: {  	_ =	shalt  }
0x49: {  	_ =	shalt  }
0x4a: {  	_ =	shalt  }
0x4b: {  	_ =	shalt  }
0x4c: {  	_ =	shalt  }
0x4d: {  	_ =	shalt  }
0x4e: {  	_ =	shalt  }
0x4f: {  	_ =	shalt  }
0x50: {  	_ =	shalt  }
0x51: {  	_ =	shalt  }
0x52: {  	_ =	shalt  }
0x53: {  	_ =	shalt  }
0x54: {  	_ =	shalt  }
0x55: {  	_ =	shalt  }
0x56: {  	_ =	shalt  }
0x57: {  	_ =	shalt  }
0x58: {  	_ =	shalt  }
0x59: {  	_ =	shalt  }
0x5a: {  	_ =	shalt  }
0x5b: {  	_ =	shalt  }
0x5c: {  	_ =	shalt  }
0x5d: {  	_ =	shalt  }
0x5e: {  	_ =	shalt  }
0x5f: {  	_ =	shalt  }
0x60: {  	_ =	shalt  }
0x61: {  	_ =	shalt  }
0x62: {  	_ =	shalt  }
0x63: {  	_ =	shalt  }
0x64: {  	_ =	shalt  }
0x65: {  	_ =	shalt  }
0x66: {  	_ =	shalt  }
0x67: {  	_ =	shalt  }
0x68: {  	_ =	shalt  }
0x69: {  	_ =	shalt  }
0x6a: {  	_ =	shalt  }
0x6b: {  	_ =	shalt  }
0x6c: {  	_ =	shalt  }
0x6d: {  	_ =	shalt  }
0x6e: {  	_ =	shalt  }
0x6f: {  	_ =	shalt  }
0x70: {  	_ =	shalt  }
0x71: {  	_ =	shalt  }
0x72: {  	_ =	shalt  }
0x73: {  	_ =	shalt  }
0x74: {  	_ =	shalt  }
0x75: {  	_ =	shalt  }
0x76: {  	_ =	shalt  }
0x77: {  	_ =	shalt  }
0x78: {  	_ =	shalt  }
0x79: {  	_ =	shalt  }
0x7a: {  	_ =	shalt  }
0x7b: {  	_ =	shalt  }
0x7c: {  	_ =	shalt  }
0x7d: {  	_ =	shalt  }
0x7e: {  	_ =	shalt  }
0x7f: {  	_ =	shalt  }
0x80: {  	_ =	shalt  }
0x81: {  	_ =	shalt  }
0x82: {  	_ =	shalt  }
0x83: {  	_ =	shalt  }
0x84: {  	_ =	shalt  }
0x85: {  	_ =	shalt  }
0x86: {  	_ =	shalt  }
0x87: {  	_ =	shalt  }
.Lfunc_end0:
.L_simem_size_0:
called_computation_lowered:
.L_overlay_start_0:
0x88: {  	s2 =	sld [smem:$0x3FD9]  }
0x89: {  	s3 =	sld [smem:$0x3FFE];
	_ =	sdelay $0x1  }
0x8a: {  	s1 =	srdreg.scid  }
0x8b: {  	s0 =	sand.u32 $0x1, s1  }
0x8c: {  	s17 =	sshll.u32 s0, $0xA;
	s2 =	sadd.s32 s3, s2  }
0x8d: {  	s2 =	sadd.s32 s2, s17  }
0x8e: {  	[smem:$0x3FC5] =	sst s2  }
0x8f: {  	_ = 	snop  }
0x90: {  	s2 =	sld [smem:$0x3FC9]  }
0x91: {  	s18 =	sld [smem:$0x3FD0];
	(tm) =	ssettm $0x1  }
0x92: {  	s4 =	sld [smem:$0x3FFB];
	_ =	sdelay $0x3  }
0x93: {  	_ =	strace s4  }
0x94: {  	s4 =	sld [smem:$0x3FFC];
	_ =	sdelay $0x3  }
0x95: {  	_ =	strace s4  }
0x96: {  	s4 =	sld [smem:$0x3FFD];
	_ =	sdelay $0x3  }
0x97: {  	_ =	strace s4  }
0x98: {  	_ =	strace $0x8FFFFFFF  }
0x99: {  	s19 =	sld [smem:$0x3FDB];
	_ =	sdelay $0x1  }
0x9a: {  	s5 =	simm.s32 $_scs_section_size  }
0x9b: {  	s6 =	simm.s32 $_size__tile_overlayer_lowered;
	s7 =	simm.s32 $_tile_overlayer_lowered  }
0x9c: {  	s22 =	simm.s32 $0x1BFF;
	s21 =	sshll.u32 s7, $0x1;
	s4 =	sadd.s32 s5, s19  }
0x9d: {  	s8 =	simm.s32 $0x0;
	s20 =	sshll.u32 s6, $0x1;
	s6 =	sadd.s32 s21, s4  }
0x9e: {  	[timem:s8], [sflag:s22] =	dma.local [hbm:s6], s20  }
0x9f: {  	_ =	swait.ge [sflag:s22], s20  }
0xa0: {  	s5 =	ssub.s32 $0x0, s20;
	[sflag:s22] =	ssyncset.done $0x0  }
0xa1: {  	[sflag:s22] =	ssyncadd.s32 s5;
	_ =	sdelay $0x1  }
0xa2: {  	s23 =	simm.s32 $0x1B8B  }
0xa3: {  	_ =	swait.ge [sflag:s23], $0x1  }
0xa4: {  	[sflag:s23] =	ssyncset.done $0x0  }
0xa5: {  	s25 =	simm.s32 $0x1B8E;
	s24 =	sld [smem:$0x3FFE];
	[sflag:s23] =	ssyncadd.s32 $0xFFFFFFFF  }
0xa6: {  	s26 =	simm.s32 $execute0_lowered;
	[smem:$0x3FD2] =	sst s25  }
0xa7: {  	s6 =	sshll.u32 s26, $0x1;
	_ =	strace $0x80000046;
	[dreg:$0x1] =	wrdreg $0xFFFFFFFF  }
0xa8: {  	s28 =	simm.s32 $_size_execute0_lowered;
	s4 =	sadd.s32 s4, s6;
	[dreg:$0x0] =	wrdreg $0x0  }
0xa9: {  	s6 =	sshll.u32 s28, $0x1;
	[dreg:$0x2] =	wrdreg s4  }
0xaa: {  	[dreg:$0x3] =	wrdreg s6  }
0xab: {  	[dreg:$0x4] =	wrdreg $0xC0  }
0xac: {  	_ =	task [dreg:s8], $0x5FFFF  }
0xad: {  	[dreg:$0x1] =	wrdreg $0xFFFFFFFF  }
0xae: {  	[dreg:$0x0] =	wrdreg $0x60  }
0xaf: {  	[dreg:$0x2] =	wrdreg s2  }
0xb0: {  	[dreg:$0x3] =	wrdreg s24  }
0xb1: {  	[dreg:$0x4] =	wrdreg s18  }
0xb2: {  	[dreg:$0x5] =	wrdreg $0x9  }
0xb3: {  	_ =	task.clear_ibuf [dreg:s8], $0x6FFFF;
	_ =	strace $0x90000046  }
0xb4: {  	s29 =	simm.s32 $0x9;
	_ =	strace $0x80000048  }
0xb5: {  	_ =	swait.ge [sflag:s29], $0x1  }
0xb6: {  	[sflag:s29] =	ssyncadd.s32 $0xFFFFFFFF  }
0xb7: {  	_ =	strace $0x90000048  }
0xb8: {  	_ =	sfence  }
0xb9: {  	s30 =	sld [smem:$0x0];
	_ =	sdelay $0x2  }
0xba: {  	s31 =	sshll.u32 s1, $0xD;
	s1 =	sshrl.u32 s1, $0x2  }
0xbb: {  	s3 =	sand.u32 $0x4000, s31;
	s1 =	sadd.s32 s1, s30  }
0xbc: {  	s0 =	sor.u32 s3, s0;
	s1 =	sshll.u32 s1, $0x11  }
0xbd: {  	s0 =	sor.u32 s1, s0  }
0xbe: {  	s0 =	sadd.s32 $0x8F2B, s0  }
0xbf: {  	[sflag:s0] =	ssyncadd.remote.s32 $0x1  }
0xc0: {  	_ =	sfence.sel $0xFFFF  }
0xc1: {  	[dreg:$0x0] =	wrdreg $0xFFFFFFFF;
	(pc) =	sbr.abs _section_cstart, $3  }
0xc2: {  	[dreg:$0x1] =	wrdreg $0xFFFFFFFF  }
0xc3: {  	_ =	task.clear_ibuf [dreg:s8], $0x2FFFF;
	_ =	strace $0x9FFFFFFF  }
0xc4: {  	(tm) =	ssettm $0x7FFFFFFF  }
0xc5: {  	_ =	shalt  }
tec
execute0_lowered:
.L_overlay_start_1:
0x0: {  	(tag) =	ssettag $0x1  }
0x1: {  	s1 =	rddreg [dreg:$0x0]  }
0x2: {  	s8 =	rddreg [dreg:$0x1]  }
0x3: {  	s2 =	rddreg [dreg:$0x2]  }
0x4: {  	s4 =	srdreg.scid;
	s3 =	simm.s32 $0x0;
	s5 =	stileid.u32  }
0x5: {  	s11 =	simm.s32 $0x1000;
	s12 =	simm.s32 $0x1;
	s13 =	simm.s32 $0x1080  }
0x6: {  	s14 =	simm.s32 $0x1100;
	s15 =	simm.s32 $0x80;
	s16 =	simm.s32 $0x400  }
.Ltmp0:
0x7: {  	s17 =	simm.s32 $0x2;
	s4 =	sand.u32 $0x1, s4;
	(pc) =	sbr.rel .LBB2_1-.Ltmp0, $4  }
0x8: {  	s18 =	simm.s32 $0x1180;
	s19 =	simm.s32 $0x0;
	s9 =	ssub.s32 $0x2, s4  }
0x9: {  	[smem:$0x7FF] =	sst s3;
	s6 =	sadd.s32 $0xC00, s8;
	s10 =	sshrl.u32 s9, $0x1  }
0xa: {  	s7 =	sadd.s32 $0xA00, s8;
	s8 =	sadd.s32 $0x800, s8;
	s10 =	ssub.s32 s9, s10  }
0xb: {  	_ =	strace $0x80000047;
	s9 =	sshll.u32 s5, $0x1;
	s10 =	smax.u32 s10, $0x1  }
.LBB2_7:
0xc: {  	s19 =	sadd.s32 $0x1, s19  }
0xd: {  	p0 =	sne.s32 s19, s10  }
.Ltmp1:
0xe: {  	_ = 	snop;
	(pc) =	sbr.rel @!p0 .LBB2_8-.Ltmp1, $1  }
0xf: {  	_ =	sdelay $0x3  }
.LBB2_1:
0x10: {  	[tilespmem:s11], [sflag:$0x1] =	stream.linear.gather [hbm4b:s6+s3], $0x80, $0x38;
	[tilespmem:$0x9180] =	vst v63  }
0x11: {  	_ =	swait.ge [sflag:s12], $0x80  }
0x12: {  	[sflag:s12] =	ssyncset.done $0x0  }
0x13: {  	[sflag:s12] =	ssyncadd.s32 $0xFFFFFF80  }
0x14: {  	[tilespmem:s13], [sflag:$0x1] =	stream.linear.gather [hbm4b:s7+s3], $0x80, $0x38;
	[tilespmem:$0x9180] =	vst v63  }
0x15: {  	_ =	swait.ge [sflag:s12], $0x80  }
0x16: {  	[sflag:s12] =	ssyncset.done $0x0  }
0x17: {  	[sflag:s12] =	ssyncadd.s32 $0xFFFFFF80  }
0x18: {  	[tilespmem:s14], [sflag:$0x1] =	stream.linear.gather [hbm4b:s8+s3], $0x80, $0x38;
	[tilespmem:$0x9180] =	vst v63  }
0x19: {  	_ =	swait.ge [sflag:s12], $0x80  }
0x1a: {  	[sflag:s12] =	ssyncset.done $0x0  }
0x1b: {  	[sflag:s12] =	ssyncadd.s32 $0xFFFFFF80  }
.Ltmp2:
0x1c: {  	v0 =	vld [tilespmem:$0x1000];
	(pc) =	sbr.rel .LBB2_2-.Ltmp2, $2  }
0x1d: {  	v1 =	vld [tilespmem:$0x1080];
	_ =	sdelay $0x2  }
0x1e: {  	s20 =	simm.s32 $0x0;
	v2 =	vld [tilespmem:$0x1100]  }
.LBB2_6:
0x1f: {  	s20 =	sadd.s32 $0x1, s20  }
0x20: {  	p0 =	sne.s32 s20, $0x66  }
.Ltmp3:
0x21: {  	_ = 	snop;
	(pc) =	sbr.rel @!p0 .LBB2_7-.Ltmp3, $1  }
0x22: {  	_ =	sdelay $0x3  }
.LBB2_2:
0x23: {  	s21 =	sshll.u32 s20, $0x5  }
0x24: {  	s21 =	sor.u32 s9, s21  }
0x25: {  	p0 =	sgt.u32 s21, $0xCB1  }
.Ltmp4:
0x26: {  	_ = 	snop;
	(pc) =	sbr.rel @p0 .LBB2_6-.Ltmp4, $1  }
0x27: {  	_ =	sdelay $0x3  }
0x28: {  	s22 =	sor.u32 s4, s21  }
0x29: {  	s21 =	smulhi.u32 $0x10624DD3, s22;
	_ =	sdelay $0x1  }
0x2a: {  	s23 =	sshll.u32 s21, $0x1  }
0x2b: {  	s24 =	sshll.u32 s21, $0x6;
	s23 =	sand.u32 $0x70, s23  }
0x2c: {  	s24 =	sand.u32 $0x7000, s24;
	s23 =	sadd.s32 s1, s23  }
0x2d: {  	s24 =	sadd.s32 s24, s23;
	s23 =	simm.s32 $0x0  }
0x2e: {  	[tilespmem:s23], [sflag:$0x2] =	stream.strided.gather [hbm4b:s24+s15], $0x1000, s16, s15, $0x38;
	[tilespmem:$0x9180] =	vst v63  }
0x2f: {  	_ =	swait.ge [sflag:s17], $0x1000  }
0x30: {  	s21 =	sshrl.u32 s21, $0x3;
	[sflag:s17] =	ssyncset.done $0x0  }
0x31: {  	s30 =	smul.u32 $0x7D, s21;
	[sflag:s17] =	ssyncadd.s32 $0xFFFFF000  }
0x32: {  	v11 =	vld [tilespmem:s23+$0x0]  }
0x33: {  	s22 =	ssub.s32 s22, s30  }
0x34: {  	s24 =	sshll.u32 s22, $0x3  }
0x35: {  	v4 =	vmov s24;
	s25 =	sor.u32 $0x1, s24;
	s26 =	sor.u32 $0x2, s24;
	s28 =	sor.u32 $0x3, s24  }
0x36: {  	s31 =	sor.u32 $0x4, s24;
	s0 =	sor.u32 $0x5, s24;
	v6 =	vmov s25;
	v3 =	vmov s26;
	v7 =	vmov s28  }
0x37: {  	s24 =	sor.u32 $0x6, s24;
	v9 =	vmov s31;
	v8 =	vmov s0;
	s26 =	sshllo.u32 s22, $0x3;
	vm0 =	vlt.s32 v11, v2  }
0x38: {  	v10 =	vmov s24;
	v5 =	vmov s26;
	v11 =	vnsel vm0, $0xFFFFFFFF, v11  }
0x39: {  	s30 =	sand.u32 $0x7, s23;
	s31 =	sand.u32 $0x70, s23;
	s28 =	sand.u32 $0x7C00, s23;
	vm0 =	veq.s32 v11, v4;
	vm1 =	veq.s32 v11, v6;
	vm2 =	veq.s32 v11, v10  }
0x3a: {  	s29 =	simm.s32 $0x0;
	s24 =	sshll.u32 s30, $0x4;
	s26 =	sor.u32 s31, s28;
	v12 =	vsel vm0, v1, v0;
	v14 =	vsel vm1, v1, v0;
	vm0 =	veq.s32 v11, v7  }
0x3b: {  	s25 =	simm.s32 $0x10;
	s24 =	sadd.s32 $0x0, s24;
	s28 =	simm.s32 $0x0;
	[tilespmem:s26+$0x1180] =	vst v12;
	v13 =	vsel vm0, v1, v0;
	vm0 =	veq.s32 v11, v9;
	v12 =	vsel vm2, v1, v0  }
.LBB2_4:
0x3c: {  	s23 =	sadd.s32 $0x80, s23  }
0x3d: {  	[tilespmem:s26+$0x1200] =	vst v14;
	vm1 =	veq.s32 v11, v3;
	v14 =	vsel vm0, v1, v0;
	vm0 =	veq.s32 v11, v8;
	s28 =	sadd.s32 $0x1, s28;
	s29 =	sadd.s32 $0x10, s29;
	s30 =	smov.u32 s25  }
0x3e: {  	p0 =	sne.s32 s25, $0xFF0;
	s25 =	sadd.s32 $0x10, s25;
	s31 =	sand.u32 $0x7, s28;
	v15 =	vsel vm1, v1, v0;
	[tilespmem:s26+$0x1300] =	vst v13;
	v13 =	vsel vm0, v1, v0;
	vm0 =	veq.s32 v11, v5  }
0x3f: {  	s31 =	sshll.u32 s31, $0x4;
	[tilespmem:s26+$0x1380] =	vst v14  }
0x40: {  	s31 =	sadd.s32 s31, s23;
	[tilespmem:s26+$0x1400] =	vst v13  }
0x41: {  	s0 =	sor.u32 $0x380, s24;
	v11 =	vsel vm0, v1, v0;
	[tilespmem:s26+$0x1480] =	vst v12;
	s24 =	smov.u32 s31  }
0x42: {  	[tilespmem:s26+$0x1280] =	vst v15  }
0x43: {  	[tilespmem:s0+$0x1180] =	vst v11  }
0x44: {  	v11 =	vld [tilespmem:s29+$0x0];
	_ =	sdelay $0x4  }
.Ltmp5:
0x45: {  	vm0 =	vlt.s32 v11, v2;
	(pc) =	sbr.rel @p0 .LBB2_4-.Ltmp5, $4  }
0x46: {  	v11 =	vnsel vm0, $0xFFFFFFFF, v11  }
0x47: {  	s26 =	sand.u32 $0x7C00, s23;
	s0 =	sand.u32 $0x70, s30;
	vm0 =	veq.s32 v11, v4;
	vm1 =	veq.s32 v11, v6;
	vm2 =	veq.s32 v11, v10  }
0x48: {  	s26 =	sor.u32 s0, s26;
	v12 =	vsel vm0, v1, v0;
	v14 =	vsel vm1, v1, v0;
	vm0 =	veq.s32 v11, v7  }
0x49: {  	[tilespmem:s26+$0x1180] =	vst v12;
	v13 =	vsel vm0, v1, v0;
	vm0 =	veq.s32 v11, v9;
	v12 =	vsel vm2, v1, v0  }
0x4a: {  	[tilespmem:s26+$0x1200] =	vst v14  }
0x4b: {  	[tilespmem:s26+$0x1300] =	vst v13  }
0x4c: {  	v4 =	vsel vm0, v1, v0;
	vm13 =	veq.s32 v11, v8;
	s0 =	smul.u32 $0x3E8000, s21;
	[tilespmem:s26+$0x1480] =	vst v12  }
0x4d: {  	vm14 =	veq.s32 v11, v3;
	s30 =	sshll.u32 s22, $0xF;
	v6 =	vsel vm13, v1, v0;
	[tilespmem:s26+$0x1380] =	vst v4  }
0x4e: {  	vm15 =	veq.s32 v11, v5;
	v3 =	vsel vm14, v1, v0;
	[tilespmem:s26+$0x1400] =	vst v6;
	s0 =	sadd.s32 s30, s0  }
0x4f: {  	s31 =	sor.u32 $0x380, s24;
	v63 =	vsel vm15, v1, v0;
	[tilespmem:s26+$0x1280] =	vst v3;
	s0 =	sshrl.u32 s0, $0x3  }
.Ltmp6:
0x50: {  	[tilespmem:s31+$0x1180] =	vst v63;
	s0 =	sadd.s32 s2, s0;
	(pc) =	sbr.rel .LBB2_6-.Ltmp6, $4  }
0x51: {  	[hbm4b:s0+s3] =	stream.linear.scatter [tilespmem:s18], [sflag:$0x1], $0x8000, $0x38;
	[tilespmem:$0x9180] =	vst v63  }
0x52: {  	_ =	swait.ge [sflag:s12], $0x8000  }
0x53: {  	[sflag:s12] =	ssyncset.done $0x0  }
0x54: {  	[sflag:s12] =	ssyncadd.s32 $0xFFFF8000  }
.LBB2_8:
0x55: {  	_ =	sfence.sel $0x180000  }
0x56: {  	[bflag:$0x0] =	sbarrier.arrive $0xFFFF  }
0x57: {  	_ =	strace $0x90000047  }
0x58: {  	[bflag:$0x2] =	sbarrier.arrive $0xFFFF  }
0x59: {  	p0 =	sne.s32 s5, $0x0;
	s0 =	rddreg [dreg:$0x3]  }
0x5a: {  	s0 =	sadd.s32 @!p0 $0x100000, s0  }
0x5b: {  	[sflag:s0] =	ssyncadd.tile.s32 @!p0 $0x1;
	_ =	shalt  }
.Lfunc_end2:
_tile_overlayer_lowered:
.L_overlay_start_2:
0x5c: {  	(tag) =	ssettag $0x2  }
0x5d: {  	s0 =	rddreg [dreg:$0x0];
	s2 =	stileid.u32  }
0x5e: {  	s1 =	rddreg [dreg:$0x1];
	p0 =	sne.s32 s2, $0x0  }
0x5f: {  	s3 =	rddreg [dreg:$0x2];
	[bflag:$0x3] =	sbarrier.arrive $0xFFFF;
	s2 =	simm.s32 @!p0 $0x1C01  }
0x60: {  	[timem:s3], [sflag:s2] =	dma.local @!p0 [hbm:s0], s1  }
0x61: {  	s0 =	simm.s32 @!p0 $0x1  }
0x62: {  	_ =	swait.ge @!p0 [sflag:s0], s1  }
0x63: {  	s1 =	ssub.s32 @!p0 $0x0, s1;
	[sflag:s0] =	ssyncset.done @!p0 $0x0  }
0x64: {  	[sflag:s0] =	ssyncadd.s32 @!p0 s1  }
0x65: {  	[bflag:$0x3] =	sbarrier.arrive $0xFFFF  }
0x66: {  	_ =	shalt  }

</sc_bundles>
